<compile_context>
chip_gen: v7x
topology: tpu7x:2x2x1
jax: 0.10.2.dev20260603
libtpu: 0.0.44.dev20260713+nightly
codegen_flags: <defaults>
</compile_context>

<pallas_src>
import jax
import jax.numpy as jnp
from jax.experimental import pallas as pl

B, NBOX, NCLS, NT = 32, 20000, 81, 50
IOU_THRESH = 0.5
NTP = 56
BN = 20096


def _ssd_block(db_ref, t_ref, mb_ref, lc_ref):
    t = t_ref[0]
    tx0 = t[:, 0:1]
    ty0 = t[:, 1:2]
    tx1 = t[:, 2:3]
    ty1 = t[:, 3:4]
    area_t = (tx1 - tx0) * (ty1 - ty0)

    db = db_ref[...]
    hw = db[2:3, :] * 0.5
    hh = db[3:4, :] * 0.5
    dx0 = db[0:1, :] - hw
    dx1 = db[0:1, :] + hw
    dy0 = db[1:2, :] - hh
    dy1 = db[1:2, :] + hh
    area_d = (dx1 - dx0) * (dy1 - dy0)

    iw = jnp.clip(jnp.minimum(dx1, tx1) - jnp.maximum(dx0, tx0), 0.0)
    ih = jnp.clip(jnp.minimum(dy1, ty1) - jnp.maximum(dy0, ty0), 0.0)
    inter = iw * ih
    g = inter / jnp.maximum(area_d + area_t, 1e-9)

    best_g = jnp.max(g, axis=0, keepdims=True)
    row = jax.lax.broadcasted_iota(jnp.int32, g.shape, 0)
    best = jnp.min(jnp.where(g == best_g, row, NTP),
                   axis=0, keepdims=True)
    onehot = (row == best).astype(jnp.bfloat16)
    keep = (best_g >= 1.0 / 3.0).astype(jnp.float32)

    t_hi = t.astype(jnp.bfloat16)
    r1 = t - t_hi.astype(jnp.float32)
    t_mid = r1.astype(jnp.bfloat16)
    t_lo = (r1 - t_mid.astype(jnp.float32)).astype(jnp.bfloat16)
    dn = (((0,), (0,)), ((), ()))

    def dot(a):
        return jax.lax.dot_general(a, onehot, dn,
                                   preferred_element_type=jnp.float32)

    m1 = dot(t_hi) + dot(t_mid) + dot(t_lo)
    cls_row = m1[4:5, :] * keep
    lc_ref[0] = m1[0:4, :]
    cls_i = cls_row.astype(jnp.int8)
    cls_col = jnp.transpose(cls_i)
    ccol = jax.lax.broadcasted_iota(jnp.int8, (cls_col.shape[0], 128), 1)
    mb_ref[0] = (ccol == cls_col).astype(jnp.int8)


@jax.jit
def kernel(loc, conf, defaultbox, target):
    del loc, conf
    dbT = jnp.transpose(defaultbox)
    tp = jnp.pad(target, ((0, 0), (0, NTP - NT), (0, 8 - target.shape[-1])))

    grid = (B, pl.cdiv(NBOX, BN))
    matchbox, loc_conf = pl.pallas_call(
        _ssd_block,
        grid=grid,
        in_specs=[
            pl.BlockSpec((4, BN), lambda i, j: (0, j)),
            pl.BlockSpec((1, NTP, 8), lambda i, j: (i, 0, 0)),
        ],
        out_specs=[
            pl.BlockSpec((1, BN, 128), lambda i, j: (i, j, 0)),
            pl.BlockSpec((1, 4, BN), lambda i, j: (i, 0, j)),
        ],
        out_shape=[
            jax.ShapeDtypeStruct((B, NBOX, 128), jnp.int8),
            jax.ShapeDtypeStruct((B, 4, NBOX), jnp.float32),
        ],
    )(dbT, tp)
    return matchbox[:, :, :NCLS].astype(jnp.int32), jnp.transpose(loc_conf, (0, 2, 1))

# --- scband reference (transcript-rebuilt; emitter-appended) ---
"""Pipeline reference for scband-ssdloss-13932873909199 (READ-ONLY COPY).

The authoritative reference and input builder live on the scoring server;
editing this copy changes nothing except your own understanding.
"""

import jax, jax.numpy as jnp
import numpy as np

B, NBOX, NCLS, NT = 32, 20000, 81, 50
IOU_THRESH = 0.5

def center_to_corner(b):
    cx, cy, w, h = b[..., 0], b[..., 1], b[..., 2], b[..., 3]
    return jnp.stack([cx - w / 2.0, cy - h / 2.0, cx + w / 2.0, cy + h / 2.0], axis=-1)

def pairwise_iou(a, b):
    # a: [Na,4] corner-form, b: [Nb,4] corner-form -> [Na, Nb]
    lt = jnp.maximum(a[:, None, :2], b[None, :, :2])
    rb = jnp.minimum(a[:, None, 2:], b[None, :, 2:])
    wh = jnp.clip(rb - lt, 0.0)
    inter = wh[..., 0] * wh[..., 1]
    area_a = (a[:, 2] - a[:, 0]) * (a[:, 3] - a[:, 1])
    area_b = (b[:, 2] - b[:, 0]) * (b[:, 3] - b[:, 1])
    union = area_a[:, None] + area_b[None, :] - inter
    return inter / jnp.maximum(union, 1e-9)

def setup_inputs(seed: int = 0):
    key = jax.random.key(seed)
    k1, k2, k3, k4, k5, k6 = jax.random.split(key, 6)
    loc = jax.random.normal(k1, (B, NBOX, 4), dtype=jnp.float32)
    conf = jax.random.normal(k2, (B, NBOX, NCLS), dtype=jnp.float32)
    dcxy = jax.random.uniform(k3, (NBOX, 2), minval=0.05, maxval=0.95)
    dwh = jax.random.uniform(k4, (NBOX, 2), minval=0.02, maxval=0.3)
    defaultbox = jnp.concatenate([dcxy, dwh], axis=-1).astype(jnp.float32)
    txy = jax.random.uniform(k5, (B, NT, 2), minval=0.0, maxval=0.7)
    twh = jax.random.uniform(k6, (B, NT, 2), minval=0.05, maxval=0.3)
    tcls = jax.random.randint(jax.random.fold_in(key, 7), (B, NT), 1, NCLS).astype(jnp.float32)
    target = jnp.concatenate([txy, txy + twh, tcls[..., None]], axis=-1).astype(jnp.float32)
    return {"loc": loc, "conf": conf, "defaultbox": defaultbox, "target": target}

def match(defaultbox_corner, tboxes, tcls):
    ious = pairwise_iou(defaultbox_corner, tboxes)          # [NBOX, NT]
    best = jnp.argmax(ious, axis=1)                          # [NBOX]
    best_iou = jnp.max(ious, axis=1)                         # [NBOX]
    box_loc = tboxes[best]                                   # gather: [NBOX, 4]
    cls = jnp.where(best_iou >= IOU_THRESH, tcls[best], 0)   # background = 0
    return box_loc, cls

def reference(loc, conf, defaultbox, target):
    db_corner = center_to_corner(defaultbox)
    def per_sample(tgt):
        tboxes = tgt[:, :4]
        tcls = tgt[:, 4].astype(jnp.int32)
        box_loc, cls = match(db_corner, tboxes, tcls)
        # equivalent of matchbox.zero_().scatter_(1, cls.unsqueeze(1), 1)
        matchbox = jax.nn.one_hot(cls, NCLS, dtype=jnp.int32)
        return matchbox, box_loc
    matchbox, loc_conf = jax.vmap(per_sample)(target)
    return (matchbox, loc_conf)

if __name__ == "__main__":
    import jax
    _d = setup_inputs()
    print(jax.jit(kernel)(*tuple(_d.values())))

</pallas_src>

<mosaic_0001>
module attributes {stable_mosaic.version = 14 : i64} {
  func.func @_ssd_block(%arg0: i32, %arg1: i32, %arg2: memref<4x20096xf32, #tpu.memory_space<vmem>>, %arg3: memref<1x56x8xf32, #tpu.memory_space<vmem>>, %arg4: memref<1x20096x128xi8, #tpu.memory_space<vmem>>, %arg5: memref<1x4x20096xf32, #tpu.memory_space<vmem>>) attributes {dimension_semantics = [#tpu.dimension_semantics<arbitrary>, #tpu.dimension_semantics<arbitrary>], iteration_bounds = array<i64: 32, 1>, scalar_prefetch = 0 : i64, scratch_operands = 0 : i64, tpu.core_type = #tpu.core_type<tc>, window_params = [{transform_indices = @transform_0, window_bounds = array<i64: 4, 20096>}, {transform_indices = @transform_1, window_bounds = array<i64: 1, 56, 8>}, {transform_indices = @transform_2, window_bounds = array<i64: 1, 20096, 128>}, {transform_indices = @transform_3, window_bounds = array<i64: 1, 4, 20096>}]} {
    %get3A = arith.constant 0 : index
    %get3A_0 = arith.constant 0 : index
    %get3A_1 = arith.constant 0 : index
    %get3A_2 = vector.load %arg3[%get3A, %get3A_0, %get3A_1] : memref<1x56x8xf32, #tpu.memory_space<vmem>>, vector<1x56x8xf32>
    %get3A_3 = vector.shape_cast %get3A_2 : vector<1x56x8xf32> to vector<56x8xf32>
    %slice3A = vector.extract_strided_slice %get3A_3 {offsets = [0, 0], sizes = [56, 1], strides = [1, 1]} : vector<56x8xf32> to vector<56x1xf32>
    %slice3A_4 = vector.extract_strided_slice %get3A_3 {offsets = [0, 1], sizes = [56, 1], strides = [1, 1]} : vector<56x8xf32> to vector<56x1xf32>
    %slice3A_5 = vector.extract_strided_slice %get3A_3 {offsets = [0, 2], sizes = [56, 1], strides = [1, 1]} : vector<56x8xf32> to vector<56x1xf32>
    %slice3A_6 = vector.extract_strided_slice %get3A_3 {offsets = [0, 3], sizes = [56, 1], strides = [1, 1]} : vector<56x8xf32> to vector<56x1xf32>
    %sub3A = arith.subf %slice3A_5, %slice3A : vector<56x1xf32>
    %sub3A_7 = arith.subf %slice3A_6, %slice3A_4 : vector<56x1xf32>
    %mul3A = arith.mulf %sub3A, %sub3A_7 : vector<56x1xf32>
    %get3A_8 = arith.constant 0 : index
    %get3A_9 = arith.constant 0 : index
    %get3A_10 = vector.load %arg2[%get3A_8, %get3A_9] : memref<4x20096xf32, #tpu.memory_space<vmem>>, vector<4x20096xf32>
    %slice3A_11 = vector.extract_strided_slice %get3A_10 {offsets = [2, 0], sizes = [1, 20096], strides = [1, 1]} : vector<4x20096xf32> to vector<1x20096xf32>
    %mul3A_12 = arith.constant 5.000000e-01 : f32
    %mul3A_13 = vector.broadcast %mul3A_12 : f32 to vector<1x20096xf32>
    %mul3A_14 = arith.mulf %slice3A_11, %mul3A_13 : vector<1x20096xf32>
    %slice3A_15 = vector.extract_strided_slice %get3A_10 {offsets = [3, 0], sizes = [1, 20096], strides = [1, 1]} : vector<4x20096xf32> to vector<1x20096xf32>
    %mul3A_16 = arith.constant 5.000000e-01 : f32
    %mul3A_17 = vector.broadcast %mul3A_16 : f32 to vector<1x20096xf32>
    %mul3A_18 = arith.mulf %slice3A_15, %mul3A_17 : vector<1x20096xf32>
    %slice3A_19 = vector.extract_strided_slice %get3A_10 {offsets = [0, 0], sizes = [1, 20096], strides = [1, 1]} : vector<4x20096xf32> to vector<1x20096xf32>
    %sub3A_20 = arith.subf %slice3A_19, %mul3A_14 : vector<1x20096xf32>
    %slice3A_21 = vector.extract_strided_slice %get3A_10 {offsets = [0, 0], sizes = [1, 20096], strides = [1, 1]} : vector<4x20096xf32> to vector<1x20096xf32>
    %add3A = arith.addf %slice3A_21, %mul3A_14 : vector<1x20096xf32>
    %slice3A_22 = vector.extract_strided_slice %get3A_10 {offsets = [1, 0], sizes = [1, 20096], strides = [1, 1]} : vector<4x20096xf32> to vector<1x20096xf32>
    %sub3A_23 = arith.subf %slice3A_22, %mul3A_18 : vector<1x20096xf32>
    %slice3A_24 = vector.extract_strided_slice %get3A_10 {offsets = [1, 0], sizes = [1, 20096], strides = [1, 1]} : vector<4x20096xf32> to vector<1x20096xf32>
    %add3A_25 = arith.addf %slice3A_24, %mul3A_18 : vector<1x20096xf32>
    %sub3A_26 = arith.subf %add3A, %sub3A_20 : vector<1x20096xf32>
    %sub3A_27 = arith.subf %add3A_25, %sub3A_23 : vector<1x20096xf32>
    %mul3A_28 = arith.mulf %sub3A_26, %sub3A_27 : vector<1x20096xf32>
    %min3A = vector.broadcast %add3A : vector<1x20096xf32> to vector<56x20096xf32>
    %min3A_29 = vector.broadcast %slice3A_5 : vector<56x1xf32> to vector<56x20096xf32>
    %min3A_30 = arith.minimumf %min3A, %min3A_29 : vector<56x20096xf32>
    %max3A = vector.broadcast %sub3A_20 : vector<1x20096xf32> to vector<56x20096xf32>
    %max3A_31 = vector.broadcast %slice3A : vector<56x1xf32> to vector<56x20096xf32>
    %max3A_32 = arith.maximumf %max3A, %max3A_31 : vector<56x20096xf32>
    %sub3A_33 = arith.subf %min3A_30, %max3A_32 : vector<56x20096xf32>
    %jit3A = arith.constant 0.000000e+00 : f32
    %max3A_34 = vector.broadcast %jit3A : f32 to vector<56x20096xf32>
    %max3A_35 = arith.maximumf %max3A_34, %sub3A_33 : vector<56x20096xf32>
    %min3A_36 = vector.broadcast %add3A_25 : vector<1x20096xf32> to vector<56x20096xf32>
    %min3A_37 = vector.broadcast %slice3A_6 : vector<56x1xf32> to vector<56x20096xf32>
    %min3A_38 = arith.minimumf %min3A_36, %min3A_37 : vector<56x20096xf32>
    %max3A_39 = vector.broadcast %sub3A_23 : vector<1x20096xf32> to vector<56x20096xf32>
    %max3A_40 = vector.broadcast %slice3A_4 : vector<56x1xf32> to vector<56x20096xf32>
    %max3A_41 = arith.maximumf %max3A_39, %max3A_40 : vector<56x20096xf32>
    %sub3A_42 = arith.subf %min3A_38, %max3A_41 : vector<56x20096xf32>
    %jit3A_43 = arith.constant 0.000000e+00 : f32
    %max3A_44 = vector.broadcast %jit3A_43 : f32 to vector<56x20096xf32>
    %max3A_45 = arith.maximumf %max3A_44, %sub3A_42 : vector<56x20096xf32>
    %mul3A_46 = arith.mulf %max3A_35, %max3A_45 : vector<56x20096xf32>
    %add3A_47 = vector.broadcast %mul3A_28 : vector<1x20096xf32> to vector<56x20096xf32>
    %add3A_48 = vector.broadcast %mul3A : vector<56x1xf32> to vector<56x20096xf32>
    %add3A_49 = arith.addf %add3A_47, %add3A_48 : vector<56x20096xf32>
    %max3A_50 = arith.constant 9.99999971E-10 : f32
    %max3A_51 = vector.broadcast %max3A_50 : f32 to vector<56x20096xf32>
    %max3A_52 = arith.maximumf %add3A_49, %max3A_51 : vector<56x20096xf32>
    %div3A = arith.divf %mul3A_46, %max3A_52 : vector<56x20096xf32>
    %reduce_max3A = arith.constant dense<0xFF800000> : vector<20096xf32>
    %reduce_max3A_53 = vector.multi_reduction <maximumf>, %div3A, %reduce_max3A [0] : vector<56x20096xf32> to vector<20096xf32>
    %broadcast_in_dim3A = vector.shape_cast %reduce_max3A_53 : vector<20096xf32> to vector<1x20096xf32>
    %iota3A = tpu.iota {dimensions = array<i32: 0>} : vector<56x20096xi32>
    %eq3A = vector.broadcast %broadcast_in_dim3A : vector<1x20096xf32> to vector<56x20096xf32>
    %eq3A_54 = arith.cmpf oeq, %div3A, %eq3A : vector<56x20096xf32>
    %jit3A_55 = arith.constant 56 : i32
    %broadcast_in_dim3A_56 = vector.broadcast %jit3A_55 : i32 to vector<56x20096xi32>
    %select_n3A = arith.select %eq3A_54, %iota3A, %broadcast_in_dim3A_56 : vector<56x20096xi1>, vector<56x20096xi32>
    %reduce_min3A = arith.constant dense<2147483647> : vector<20096xi32>
    %reduce_min3A_57 = vector.multi_reduction <minsi>, %select_n3A, %reduce_min3A [0] : vector<56x20096xi32> to vector<20096xi32>
    %broadcast_in_dim3A_58 = vector.shape_cast %reduce_min3A_57 : vector<20096xi32> to vector<1x20096xi32>
    %eq3A_59 = vector.broadcast %broadcast_in_dim3A_58 : vector<1x20096xi32> to vector<56x20096xi32>
    %eq3A_60 = arith.cmpi eq, %iota3A, %eq3A_59 : vector<56x20096xi32>
    %convert_element_type3A = arith.extui %eq3A_60 : vector<56x20096xi1> to vector<56x20096xi32>
    %convert_element_type3A_61 = arith.sitofp %convert_element_type3A : vector<56x20096xi32> to vector<56x20096xf32>
    %convert_element_type3A_62 = arith.truncf %convert_element_type3A_61 : vector<56x20096xf32> to vector<56x20096xbf16>
    %ge3A = arith.constant 0.333333343 : f32
    %ge3A_63 = vector.broadcast %ge3A : f32 to vector<1x20096xf32>
    %ge3A_64 = arith.cmpf oge, %broadcast_in_dim3A, %ge3A_63 : vector<1x20096xf32>
    %convert_element_type3A_65 = arith.extui %ge3A_64 : vector<1x20096xi1> to vector<1x20096xi32>
    %convert_element_type3A_66 = arith.sitofp %convert_element_type3A_65 : vector<1x20096xi32> to vector<1x20096xf32>
    %convert_element_type3A_67 = arith.truncf %get3A_3 : vector<56x8xf32> to vector<56x8xbf16>
    %convert_element_type3A_68 = arith.extf %convert_element_type3A_67 : vector<56x8xbf16> to vector<56x8xf32>
    %sub3A_69 = arith.subf %get3A_3, %convert_element_type3A_68 : vector<56x8xf32>
    %convert_element_type3A_70 = arith.truncf %sub3A_69 : vector<56x8xf32> to vector<56x8xbf16>
    %convert_element_type3A_71 = arith.extf %convert_element_type3A_70 : vector<56x8xbf16> to vector<56x8xf32>
    %sub3A_72 = arith.subf %sub3A_69, %convert_element_type3A_71 : vector<56x8xf32>
    %convert_element_type3A_73 = arith.truncf %sub3A_72 : vector<56x8xf32> to vector<56x8xbf16>
    %dot_general3A = arith.constant dense<0.000000e+00> : vector<8x20096xf32>
    %dot_general3A_74 = tpu.matmul %convert_element_type3A_67, %convert_element_type3A_62, %dot_general3A {dimension_numbers = #tpu.dot_dimension_numbers<[0], [0], [1], [1], [0, 1, 1, 1], [], []>, transpose_lhs_hint = false} : vector<56x8xbf16>, vector<56x20096xbf16>, vector<8x20096xf32> -> vector<8x20096xf32>
    %dot_general3A_75 = arith.constant dense<0.000000e+00> : vector<8x20096xf32>
    %dot_general3A_76 = tpu.matmul %convert_element_type3A_70, %convert_element_type3A_62, %dot_general3A_75 {dimension_numbers = #tpu.dot_dimension_numbers<[0], [0], [1], [1], [0, 1, 1, 1], [], []>, transpose_lhs_hint = false} : vector<56x8xbf16>, vector<56x20096xbf16>, vector<8x20096xf32> -> vector<8x20096xf32>
    %add3A_77 = arith.addf %dot_general3A_74, %dot_general3A_76 : vector<8x20096xf32>
    %dot_general3A_78 = arith.constant dense<0.000000e+00> : vector<8x20096xf32>
    %dot_general3A_79 = tpu.matmul %convert_element_type3A_73, %convert_element_type3A_62, %dot_general3A_78 {dimension_numbers = #tpu.dot_dimension_numbers<[0], [0], [1], [1], [0, 1, 1, 1], [], []>, transpose_lhs_hint = false} : vector<56x8xbf16>, vector<56x20096xbf16>, vector<8x20096xf32> -> vector<8x20096xf32>
    %add3A_80 = arith.addf %add3A_77, %dot_general3A_79 : vector<8x20096xf32>
    %slice3A_81 = vector.extract_strided_slice %add3A_80 {offsets = [4, 0], sizes = [1, 20096], strides = [1, 1]} : vector<8x20096xf32> to vector<1x20096xf32>
    %mul3A_82 = arith.mulf %slice3A_81, %convert_element_type3A_66 : vector<1x20096xf32>
    %slice3A_83 = vector.extract_strided_slice %add3A_80 {offsets = [0, 0], sizes = [4, 20096], strides = [1, 1]} : vector<8x20096xf32> to vector<4x20096xf32>
    %swap3A = arith.constant 0 : index
    %swap3A_84 = arith.constant 0 : index
    %swap3A_85 = arith.constant 0 : index
    %swap3A_86 = vector.load %arg5[%swap3A, %swap3A_84, %swap3A_85] : memref<1x4x20096xf32, #tpu.memory_space<vmem>>, vector<1x4x20096xf32>
    %swap3A_87 = vector.shape_cast %swap3A_86 : vector<1x4x20096xf32> to vector<4x20096xf32>
    %swap3A_88 = vector.shape_cast %slice3A_83 : vector<4x20096xf32> to vector<1x4x20096xf32>
    tpu.vector_store %arg5[%swap3A, %swap3A_84, %swap3A_85], %swap3A_88 {strides = array<i32>} : memref<1x4x20096xf32, #tpu.memory_space<vmem>>, vector<1x4x20096xf32>,
    %convert_element_type3A_89 = arith.fptosi %mul3A_82 : vector<1x20096xf32> to vector<1x20096xi8>
    %transpose3A = tpu.transpose %convert_element_type3A_89, [1, 0] : vector<1x20096xi8> -> vector<20096x1xi8>
    %iota3A_90 = tpu.iota {dimensions = array<i32: 1>} : vector<20096x128xi8>
    %eq3A_91 = vector.broadcast %transpose3A : vector<20096x1xi8> to vector<20096x128xi8>
    %eq3A_92 = arith.cmpi eq, %iota3A_90, %eq3A_91 : vector<20096x128xi8>
    %convert_element_type3A_93 = arith.extui %eq3A_92 : vector<20096x128xi1> to vector<20096x128xi8>
    %swap3A_94 = arith.constant 0 : index
    %swap3A_95 = arith.constant 0 : index
    %swap3A_96 = arith.constant 0 : index
    %swap3A_97 = vector.load %arg4[%swap3A_94, %swap3A_95, %swap3A_96] : memref<1x20096x128xi8, #tpu.memory_space<vmem>>, vector<1x20096x128xi8>
    %swap3A_98 = vector.shape_cast %swap3A_97 : vector<1x20096x128xi8> to vector<20096x128xi8>
    %swap3A_99 = vector.shape_cast %convert_element_type3A_93 : vector<20096x128xi8> to vector<1x20096x128xi8>
    tpu.vector_store %arg4[%swap3A_94, %swap3A_95, %swap3A_96], %swap3A_99 {strides = array<i32>} : memref<1x20096x128xi8, #tpu.memory_space<vmem>>, vector<1x20096x128xi8>,
    return
  }
  func.func @transform_0(%arg0: i32, %arg1: i32) -> (i32, i32) {
    %c0_i32 = arith.constant 0 : i32
    %c0_i32_0 = arith.constant 0 : i32
    return %c0_i32, %arg1 : i32, i32
  }
  func.func @transform_1(%arg0: i32, %arg1: i32) -> (i32, i32, i32) {
    %c0_i32 = arith.constant 0 : i32
    %c0_i32_0 = arith.constant 0 : i32
    %c0_i32_1 = arith.constant 0 : i32
    return %arg0, %c0_i32, %c0_i32_0 : i32, i32, i32
  }
  func.func @transform_2(%arg0: i32, %arg1: i32) -> (i32, i32, i32) {
    %c0_i32 = arith.constant 0 : i32
    %c0_i32_0 = arith.constant 0 : i32
    return %arg0, %arg1, %c0_i32 : i32, i32, i32
  }
  func.func @transform_3(%arg0: i32, %arg1: i32) -> (i32, i32, i32) {
    %c0_i32 = arith.constant 0 : i32
    %c0_i32_0 = arith.constant 0 : i32
    return %arg0, %c0_i32, %arg1 : i32, i32, i32
  }
}

</mosaic_0001>

<sc_bundles>
// kernel: sparse-core-data-format-call.cloned.1.call-start
scs
called_computation_lowered:
.L_overlay_start_0:
0x0: {  	s2 =	sld [smem:$0x3FD9]  }
0x1: {  	s3 =	sld [smem:$0x3FFE];
	_ =	sdelay $0x1  }
0x2: {  	s1 =	srdreg.scid  }
0x3: {  	s0 =	sand.u32 $0x1, s1  }
0x4: {  	s15 =	sshll.u32 s0, $0xA;
	s2 =	sadd.s32 s3, s2  }
0x5: {  	s2 =	sadd.s32 s2, s15  }
0x6: {  	[smem:$0x3FC6] =	sst s2  }
0x7: {  	_ = 	snop  }
0x8: {  	s2 =	sld [smem:$0x3FD0];
	_ =	sdelay $0x2  }
0x9: {  	s16 =	simm.s32 $0xA;
	s4 =	simm.s32 $0x10  }
0xa: {  	[smem:s4], [sflag:s16] =	dma.local [hbm:s2], $0x1  }
0xb: {  	_ =	swait.eq [sflag:s16], $0x1  }
0xc: {  	[sflag:s16] =	ssyncset.done $0x0  }
0xd: {  	[sflag:s16] =	ssyncadd.s32 $0xFFFFFFFF  }
0xe: {  	s17 =	sld [smem:$0x10];
	(tm) =	ssettm $0x1  }
0xf: {  	s18 =	sld [smem:$0x3FFB];
	_ =	sdelay $0x3  }
0x10: {  	_ =	strace s18  }
0x11: {  	s3 =	sld [smem:$0x3FFC];
	_ =	sdelay $0x3  }
0x12: {  	_ =	strace s3  }
0x13: {  	s3 =	sld [smem:$0x3FFD];
	_ =	sdelay $0x3  }
0x14: {  	_ =	strace s3  }
0x15: {  	_ =	strace $0x8FFFFFFF  }
0x16: {  	s19 =	sld [smem:$0x3FDB];
	_ =	sdelay $0x1  }
0x17: {  	s20 =	simm.s32 $_scs_section_size  }
0x18: {  	s5 =	simm.s32 $_size__tile_overlayer_lowered;
	s6 =	simm.s32 $_tile_overlayer_lowered  }
0x19: {  	s23 =	simm.s32 $0x1BFF;
	s22 =	sshll.u32 s6, $0x1;
	s3 =	sadd.s32 s20, s19  }
0x1a: {  	s7 =	simm.s32 $0x0;
	s21 =	sshll.u32 s5, $0x1;
	s5 =	sadd.s32 s22, s3  }
0x1b: {  	[timem:s7], [sflag:s23] =	dma.local [hbm:s5], s21  }
0x1c: {  	_ =	swait.ge [sflag:s23], s21  }
0x1d: {  	s4 =	ssub.s32 $0x0, s21;
	[sflag:s23] =	ssyncset.done $0x0  }
0x1e: {  	[sflag:s23] =	ssyncadd.s32 s4;
	_ =	sdelay $0x1  }
0x1f: {  	s24 =	simm.s32 $0x1B8B  }
0x20: {  	_ =	swait.ge [sflag:s24], $0x1  }
0x21: {  	[sflag:s24] =	ssyncset.done $0x0  }
0x22: {  	s26 =	simm.s32 $0x1B8E;
	s25 =	sld [smem:$0x3FFE];
	[sflag:s24] =	ssyncadd.s32 $0xFFFFFFFF  }
0x23: {  	s27 =	simm.s32 $execute0_lowered;
	[smem:$0x3FD2] =	sst s26  }
0x24: {  	s5 =	sshll.u32 s27, $0x1;
	_ =	strace $0x80000046;
	[dreg:$0x1] =	wrdreg $0xFFFFFFFF  }
0x25: {  	s28 =	simm.s32 $_size_execute0_lowered;
	s3 =	sadd.s32 s3, s5;
	[dreg:$0x0] =	wrdreg $0x0  }
0x26: {  	s5 =	sshll.u32 s28, $0x1;
	[dreg:$0x2] =	wrdreg s3  }
0x27: {  	[dreg:$0x3] =	wrdreg s5  }
0x28: {  	[dreg:$0x4] =	wrdreg $0xC0  }
0x29: {  	_ =	task [dreg:s7], $0x5FFFF  }
0x2a: {  	[dreg:$0x1] =	wrdreg $0xFFFFFFFF  }
0x2b: {  	[dreg:$0x0] =	wrdreg $0x60  }
0x2c: {  	[dreg:$0x2] =	wrdreg s25  }
0x2d: {  	[dreg:$0x3] =	wrdreg s17  }
0x2e: {  	[dreg:$0x4] =	wrdreg $0x9  }
0x2f: {  	_ =	task.clear_ibuf [dreg:s7], $0x5FFFF;
	_ =	strace $0x90000046  }
0x30: {  	s29 =	simm.s32 $0x9;
	_ =	strace $0x80000048  }
0x31: {  	_ =	swait.ge [sflag:s29], $0x1  }
0x32: {  	[sflag:s29] =	ssyncadd.s32 $0xFFFFFFFF  }
0x33: {  	_ =	strace $0x90000048  }
0x34: {  	_ =	sfence  }
0x35: {  	s30 =	sld [smem:$0x0];
	_ =	sdelay $0x2  }
0x36: {  	s31 =	sshll.u32 s1, $0xD;
	s1 =	sshrl.u32 s1, $0x2  }
0x37: {  	s3 =	sand.u32 $0x4000, s31;
	s1 =	sadd.s32 s1, s30  }
0x38: {  	s0 =	sor.u32 s3, s0;
	s1 =	sshll.u32 s1, $0x11  }
0x39: {  	s0 =	sor.u32 s1, s0  }
0x3a: {  	s0 =	sadd.s32 $0x8F2B, s0  }
0x3b: {  	[sflag:s0] =	ssyncadd.remote.s32 $0x1  }
0x3c: {  	_ =	sfence.sel $0xFFFF  }
0x3d: {  	[dreg:$0x0] =	wrdreg $0xFFFFFFFF;
	(pc) =	sbr.abs _section_cstart, $3  }
0x3e: {  	[dreg:$0x1] =	wrdreg $0xFFFFFFFF  }
0x3f: {  	_ =	task.clear_ibuf [dreg:s7], $0x2FFFF;
	_ =	strace $0x9FFFFFFF  }
0x40: {  	(tm) =	ssettm $0x7FFFFFFF  }
0x41: {  	_ =	shalt  }
tec
execute0_lowered:
.L_overlay_start_1:
0x0: {  	(tag) =	ssettag $0x1  }
0x1: {  	s0 =	rddreg [dreg:$0x0];
	_ =	strace $0x80000047;
	s31 =	srdreg.scid  }
0x2: {  	s2 =	stileid.u32;
	s4 =	simm.s32 $0x1;
	s1 =	simm.s32 $0x2  }
.Ltmp0:
0x3: {  	s12 =	simm.s32 $0x0;
	s13 =	simm.s32 $0x0;
	(pc) =	sbr.rel .LBB1_1-.Ltmp0, $4  }
0x4: {  	s8 =	simm.s32 $0x0;
	s3 =	sadd.s32 $0x800, s0;
	s0 =	sshll.u32 s31, $0x4  }
0x5: {  	s10 =	simm.s32 $0x0;
	s9 =	simm.s32 $0x0;
	s0 =	sand.u32 $0x10, s0  }
0x6: {  	s7 =	simm.s32 $0x0;
	[sflag:s4] =	ssyncpa.u1 $0x0;
	s5 =	sor.u32 s2, s0  }
0x7: {  	s21 =	simm.s32 $0x0;
	[sflag:s1] =	ssyncpa.u1 $0x0;
	s11 =	smov.u32 s5  }
.LBB1_11:
0x8: {  	s0 =	sshrl.u32 s10, $0x3;
	s1 =	sshll.u32 s8, $0x3  }
0x9: {  	s2 =	sshll.u32 s10, $0x7;
	p0 =	sgt.s32 s8, $0x4E00;
	s0 =	smul.u32 $0x27400, s0  }
0xa: {  	s1 =	sand.u32 $0xFFFFFC00, s1;
	s27 =	sand.u32 $0x380, s2;
	s2 =	smov.u32 s8  }
0xb: {  	s2 =	simm.s32 @!p0 $0x4E00;
	s0 =	sadd.s32 s0, s1  }
0xc: {  	s28 =	sand.u32 $0x7F, s8;
	s2 =	sadd.s32 s15, s2;
	s0 =	sor.u32 s27, s0  }
0xd: {  	s15 =	sadd.s32 $0xFFFFB200, s2;
	s1 =	sor.u32 s28, s0  }
0xe: {  	s2 =	ssub.s32 $0x4E80, s2;
	p0 =	sgt.s32 s15, $0x7F;
	s6 =	smulhi.u32 $0x342DA7F3, s1  }
0xf: {  	s0 =	smulhi.u32 $0x342DA7F3, s0;
	s2 =	simm.s32 @p0 $0x0  }
0x10: {  	s2 =	smul.u32 s2, s14;
	s6 =	sshrl.u32 s6, $0xC  }
0x11: {  	s6 =	smul.u32 $0x4E80, s6  }
0x12: {  	s29 =	rddreg [dreg:$0x1];
	s30 =	sor.u32 $0x8000, s16;
	s0 =	sshrl.u32 s0, $0xC  }
0x13: {  	s0 =	sand.u32 $0x1F, s0;
	s2 =	smul.u32 $0x51, s2;
	s1 =	ssub.s32 s1, s6  }
0x14: {  	s0 =	smul.u32 $0x9D0, s0;
	s6 =	sshrl.u32 s1, $0x3;
	s1 =	sand.u32 $0x7, s1  }
0x15: {  	s31 =	simm.s32 $0x9D000;
	s6 =	sadd.s32 s29, s6;
	s1 =	sshll.u32 s1, $0x12  }
0x16: {  	s2 =	sand.u32 $0x3FFFFFFF, s2;
	s0 =	sadd.s32 s0, s6;
	s1 =	sor.u32 $0x80, s1  }
0x17: {  	[hbm4b:s0+s1] =	stream.strided.scatter [tilespmem:s30], [sflag:$0x2], s2, s31, s1, $0x20;
	[tilespmem:$0x10100] =	vst v63  }
.LBB1_12:
0x18: {  	p0 =	slt.u32 s7, $0x2  }
0x19: {  	s1 =	smov.u32 s13;
	s2 =	smov.u32 s12;
	p1 =	sgt.s32 @!p0 s13, $0x1F  }
0x1a: {  	s0 =	sshra.s32 @!p0 s13, $0x1F;
	p2 =	sgt.s32 @!p0 s12, $0x4E00;
	s6 =	sshra.s32 @!p0 s12, $0x1F  }
0x1b: {  	p1 =	por !p1, p0;
	s0 =	sand.u32 @!p0 s0, s13;
	p2 =	por !p2, p0  }
0x1c: {  	s6 =	sand.u32 @!p0 s6, s12;
	s1 =	simm.s32 @p1 $0x1F;
	s2 =	simm.s32 @p2 $0x4E00  }
0x1d: {  	s0 =	ssub.s32 @!p0 s1, s0;
	s1 =	ssub.s32 @!p0 s2, s6  }
0x1e: {  	s2 =	sadd.s32 @!p0 $0xFFFFFFE1, s0;
	s0 =	ssub.s32 @!p0 $0x20, s0;
	s6 =	sadd.s32 @!p0 $0xFFFFB200, s1  }
0x1f: {  	p1 =	sgt.s32 @!p0 s2, $0x0;
	s0 =	smul.u32 @!p0 $0x51, s0;
	p2 =	sgt.s32 @!p0 s6, $0x7F  }
0x20: {  	s1 =	ssub.s32 @!p0 $0x4E80, s1;
	p1 =	por !p1, p0;
	p2 =	por !p2, p0  }
0x21: {  	s0 =	simm.s32 @!p1 $0x0;
	s1 =	simm.s32 @!p2 $0x0  }
0x22: {  	s0 =	smul.u32 @!p0 s1, s0;
	s1 =	sadd.s32 $0x80, s9  }
0x23: {  	s14 =	smov.u32 s11;
	s6 =	sadd.s32 $0x20, s11;
	p1 =	sgt.s32 s1, $0x4E1F  }
0x24: {  	s14 =	smov.u32 @p1 s6  }
0x25: {  	s7 =	sadd.s32 $0x1, s7;
	s1 =	simm.s32 @p1 $0x0;
	p1 =	sgt.s32 s14, $0x1F  }
0x26: {  	s14 =	smov.u32 @p1 s5;
	p1 =	sne.s32 s7, $0x9F  }
.Ltmp1:
0x27: {  	_ = 	snop;
	(pc) =	sbr.rel @!p1 .LBB1_13-.Ltmp1, $4  }
0x28: {  	s12 =	smov.u32 s8;
	s2 =	simm.s32 @!p0 $0x2;
	s0 =	sand.u32 @!p0 $0x3FFFFFFF, s0  }
0x29: {  	s13 =	smov.u32 s10;
	s8 =	smov.u32 s9;
	_ =	swait.ge @!p0 [sflag:s2], s0  }
0x2a: {  	s10 =	smov.u32 s11;
	s0 =	ssub.s32 @!p0 $0x0, s0;
	[sflag:s2] =	ssyncset.done @!p0 $0x0  }
0x2b: {  	s9 =	smov.u32 s1;
	[sflag:s2] =	ssyncadd.s32 @!p0 s0;
	s11 =	smov.u32 s14  }
.LBB1_1:
0x2c: {  	p0 =	sgt.u32 s7, $0x9C;
	s1 =	smov.u32 s11  }
0x2d: {  	s15 =	smov.u32 s9;
	p1 =	sgt.s32 @!p0 s11, $0x1F;
	s0 =	sand.u32 @!p0 $0x1FFFFFF, s9  }
0x2e: {  	s14 =	sshra.s32 @!p0 s11, $0x1F;
	s16 =	sshra.s32 @!p0 s9, $0x1F;
	p1 =	por !p1, p0  }
0x2f: {  	s2 =	smulhi.u32 @!p0 $0x1A36E2F, s0;
	s1 =	simm.s32 @p1 $0x1F;
	p1 =	sgt.s32 @!p0 s9, $0x4DA0  }
0x30: {  	s14 =	sand.u32 @!p0 s14, s11;
	s16 =	sand.u32 @!p0 s16, s9;
	p1 =	por !p1, p0  }
0x31: {  	s1 =	ssub.s32 @!p0 s1, s14;
	s2 =	sshrl.u32 @!p0 s2, $0x7;
	s15 =	simm.s32 @p1 $0x4DA0  }
0x32: {  	s1 =	sadd.s32 @!p0 $0xFFFFFFE1, s1;
	s2 =	smul.u32 @!p0 $0x4E20, s2;
	s14 =	ssub.s32 @!p0 s15, s16  }
0x33: {  	p1 =	sgt.s32 @!p0 s1, $0x0;
	s1 =	sshll.u32 @!p0 s1, $0x7;
	s15 =	sadd.s32 @!p0 $0xFFFFB260, s14  }
0x34: {  	s16 =	smul.u32 @!p0 $0x4E200, s11;
	s14 =	ssub.s32 @!p0 $0x4E20, s14;
	p2 =	sgt.s32 @!p0 s15, $0x7F  }
0x35: {  	s1 =	ssub.s32 @!p0 $0x80, s1;
	p1 =	por !p1, p0;
	p2 =	por !p2, p0  }
0x36: {  	s15 =	sxor.u32 @!p0 $0xFFFFFFFF, s7;
	s1 =	simm.s32 @!p1 $0x0;
	s14 =	simm.s32 @!p2 $0x0  }
0x37: {  	s0 =	ssub.s32 @!p0 s0, s2;
	s2 =	sshll.u32 @!p0 s15, $0xE;
	s1 =	smul.u32 @!p0 s14, s1  }
0x38: {  	s0 =	sshll.u32 @!p0 s0, $0x4;
	s2 =	sand.u32 @!p0 $0x4000, s2;
	s14 =	sadd.s32 @!p0 s3, s16  }
0x39: {  	s0 =	sadd.s32 @!p0 s0, s14;
	s14 =	simm.s32 @!p0 $0x0;
	s1 =	sand.u32 @!p0 $0x3FFFFF80, s1  }
0x3a: {  	[tilespmem:s2], [sflag:$0x1] =	stream.linear.gather @!p0 [hbm4b:s0+s14], s1, $0x38;
	[tilespmem:$0x10100] =	vst v63  }
0x3b: {  	p0 =	seq.s32 s7, $0x0  }
0x3c: {  	p1 =	seq.s32 @!p0 s7, $0x9E  }
0x3d: {  	p0 =	por p0, p1  }
.Ltmp2:
0x3e: {  	_ = 	snop;
	(pc) =	sbr.rel @p0 .LBB1_12-.Ltmp2, $1  }
0x3f: {  	_ =	sdelay $0x3  }
0x40: {  	p0 =	sgt.s32 s10, $0x1F  }
0x41: {  	s0 =	smov.u32 s10;
	s1 =	sshra.s32 s10, $0x1F;
	s2 =	ssub.s32 $0x0, s8  }
0x42: {  	s14 =	sshra.s32 s8, $0x1F;
	s0 =	simm.s32 @!p0 $0x1F;
	s1 =	sand.u32 s1, s10  }
0x43: {  	s16 =	smov.u32 s8;
	p0 =	sgt.s32 s8, $0x4DA0;
	s0 =	ssub.s32 s0, s1  }
0x44: {  	s15 =	sand.u32 s2, s14;
	s16 =	simm.s32 @!p0 $0x4DA0;
	s1 =	sadd.s32 $0xFFFFFFE1, s0  }
0x45: {  	s2 =	sadd.s32 s15, s16;
	s14 =	ssub.s32 $0x20, s0;
	p0 =	sgt.s32 s1, $0x0  }
0x46: {  	s30 =	sadd.s32 $0xFFFFB260, s2;
	s0 =	ssub.s32 $0x4E20, s2;
	s1 =	sadd.s32 $0x1, s10  }
0x47: {  	s2 =	sadd.s32 $0x80, s8;
	s14 =	simm.s32 @p0 $0x0;
	p0 =	slt.s32 s1, $0x20  }
0x48: {  	s1 =	simm.s32 @!p0 $0x20;
	p0 =	slt.s32 s2, $0x4E20  }
0x49: {  	p1 =	sgt.s32 s30, $0x7F;
	s17 =	ssub.s32 s1, s10;
	s2 =	simm.s32 @!p0 $0x4E20  }
0x4a: {  	s0 =	simm.s32 @p1 $0x0;
	s18 =	ssub.s32 s2, s8;
	p0 =	slt.s32 s17, $0x1  }
0x4b: {  	s0 =	smul.u32 s0, s14;
	p1 =	slt.s32 @!p0 s18, $0x1  }
0x4c: {  	p1 =	por p0, p1  }
.Ltmp3:
0x4d: {  	s0 =	sshll.u32 s0, $0x7;
	(pc) =	sbr.rel @p1 .LBB1_11-.Ltmp3, $4  }
0x4e: {  	s31 =	sand.u32 $0x3FFFFF80, s0  }
0x4f: {  	_ =	swait.ge [sflag:s4], s31  }
0x50: {  	s0 =	sand.u32 $0x1, s7;
	s1 =	ssub.s32 $0x0, s31;
	[sflag:s4] =	ssyncset.done $0x0  }
0x51: {  	s16 =	smul.u32 $0x4080, s0;
	[sflag:s4] =	ssyncadd.s32 s1  }
0x52: {  	_ = 	snop  }
0x53: {  	s19 =	sshll.u32 @!p0 s0, $0xE;
	s22 =	simm.s32 $0x0;
	s20 =	sor.u32 @!p0 $0x8000, s16  }
.LBB1_4:
0x54: {  	s0 =	sshll.u32 s22, $0x10  }
0x55: {  	s0 =	sshra.s32 s0, $0x2  }
0x56: {  	s0 =	sadd.s32 s0, s19  }
0x57: {  	v0 =	vmov s0;
	_ =	sdelay $0x2  }
0x58: {  	s30 =	sand.u32 $0x7, s22  }
0x59: {  	s31 =	sand.u32 $0x3F80, s21;
	p1 =	sne.s32 s18, $0x1;
	s0 =	smul.u32 $0x204, s30  }
.Ltmp4:
0x5a: {  	v11 =	vld.idx.msk [tilespmem:v0+s31+$0x0 ss:$0x1], $0xffff;
	(pc) =	sbr.rel @!p1 .LBB1_5-.Ltmp4, $4  }
0x5b: {  	s1 =	simm.s32 $0x1;
	s0 =	sshrl.u32 s0, $0x2;
	v8 =	vld.idx.msk [tilespmem:v0+s31+$0x10 ss:$0x1], $0xffff  }
0x5c: {  	s2 =	simm.s32 $0x80;
	p0 =	por $0x0, $0x0;
	s28 =	sadd.s32 s0, s20;
	v9 =	vld.idx.msk [tilespmem:v0+s31+$0x20 ss:$0x1], $0xffff  }
0x5d: {  	s0 =	sand.u32 $0x7F, s21;
	s26 =	sadd.s32 $0x810, s28;
	s27 =	sadd.s32 $0x1020, s28;
	v10 =	vld.idx.msk [tilespmem:v0+s31+$0x30 ss:$0x1], $0xffff  }
0x5e: {  	s25 =	sadd.s32 $0x1830, s28;
	s24 =	sadd.s32 $0x2040, s28;
	s23 =	sadd.s32 $0x2850, s28;
	v7 =	vld.idx.msk [tilespmem:v0+s31+$0x40 ss:$0x1], $0xffff  }
0x5f: {  	_ =	sdelay $0x3  }
0x60: {  	s30 =	sand.u32 $0x3F80, s2;
	s6 =	sadd.s32 s0, s28;
	v1 =	vld.idx.msk [tilespmem:v0+s31+$0x50 ss:$0x1], $0xffff;
	p1 =	sne.s32 s18, $0x2  }
.Ltmp5:
0x61: {  	v2 =	vld.idx.msk [tilespmem:v0+s30+$0x0 ss:$0x1], $0xffff;
	[tilespmem:s6+$0x0 ss:$0x81] =	vst.msk $0xffff, v11;
	s6 =	sadd.s32 s0, s26;
	(pc) =	sbr.rel @!p1 .LBB1_7-.Ltmp5, $4  }
0x62: {  	v3 =	vld.idx.msk [tilespmem:v0+s30+$0x10 ss:$0x1], $0xffff;
	[tilespmem:s6+$0x0 ss:$0x81] =	vst.msk $0xffff, v8;
	s6 =	sadd.s32 s0, s27  }
0x63: {  	v4 =	vld.idx.msk [tilespmem:v0+s30+$0x20 ss:$0x1], $0xffff;
	[tilespmem:s6+$0x0 ss:$0x81] =	vst.msk $0xffff, v9;
	s6 =	sadd.s32 s0, s25  }
0x64: {  	s31 =	simm.s32 $0x2;
	s29 =	sand.u32 $0x7F, s1;
	v5 =	vld.idx.msk [tilespmem:v0+s30+$0x30 ss:$0x1], $0xffff;
	[tilespmem:s6+$0x0 ss:$0x81] =	vst.msk $0xffff, v10;
	s6 =	sadd.s32 s0, s24  }
0x65: {  	s1 =	simm.s32 $0x100;
	s2 =	sadd.s32 s0, s23;
	p0 =	por $0x1, $0x1;
	v6 =	vld.idx.msk [tilespmem:v0+s30+$0x40 ss:$0x1], $0xffff;
	[tilespmem:s6+$0x0 ss:$0x81] =	vst.msk $0xffff, v7  }
.LBB1_8:
0x66: {  	s6 =	smov.u32 s31;
	s31 =	sadd.s32 $0x1, s31  }
0x67: {  	s0 =	sadd.s32 s29, s28;
	[tilespmem:s2+$0x0 ss:$0x81] =	vst.msk $0xffff, v1;
	v1 =	vld.idx.msk [tilespmem:v0+s30+$0x50 ss:$0x1], $0xffff;
	s30 =	sand.u32 $0x3F80, s1;
	p1 =	sne.s32 s18, s31  }
.Ltmp6:
0x68: {  	[tilespmem:s0+$0x0 ss:$0x81] =	vst.msk $0xffff, v2;
	v2 =	vld.idx.msk [tilespmem:v0+s30+$0x0 ss:$0x1], $0xffff;
	s0 =	sadd.s32 s29, s26;
	(pc) =	sbr.rel @p1 .LBB1_8-.Ltmp6, $4  }
0x69: {  	[tilespmem:s0+$0x0 ss:$0x81] =	vst.msk $0xffff, v3;
	v3 =	vld.idx.msk [tilespmem:v0+s30+$0x10 ss:$0x1], $0xffff;
	s0 =	sadd.s32 s29, s27  }
0x6a: {  	[tilespmem:s0+$0x0 ss:$0x81] =	vst.msk $0xffff, v4;
	v4 =	vld.idx.msk [tilespmem:v0+s30+$0x20 ss:$0x1], $0xffff;
	s0 =	sadd.s32 s29, s25  }
0x6b: {  	[tilespmem:s0+$0x0 ss:$0x81] =	vst.msk $0xffff, v5;
	v5 =	vld.idx.msk [tilespmem:v0+s30+$0x30 ss:$0x1], $0xffff;
	s0 =	sadd.s32 s29, s24  }
0x6c: {  	s1 =	sadd.s32 $0x80, s1;
	s2 =	sadd.s32 s29, s23;
	s29 =	sand.u32 $0x7F, s6;
	[tilespmem:s0+$0x0 ss:$0x81] =	vst.msk $0xffff, v6;
	v6 =	vld.idx.msk [tilespmem:v0+s30+$0x40 ss:$0x1], $0xffff  }
0x6d: {  	_ =	sdelay $0x3  }
0x6e: {  	s0 =	smov.u32 s29;
	s31 =	smov.u32 s30;
	v11 =	vmovc v2;
	v8 =	vmovc v3;
	v9 =	vmov v4;
	v10 =	vmov v5;
	v7 =	vmov v6  }
.LBB1_10:
0x6f: {  	_ =	sdelay $0x2  }
0x70: {  	s1 =	sadd.s32 s0, s28;
	[tilespmem:s2+$0x0 ss:$0x81] =	vst.msk @p0 $0xffff, v1;
	s22 =	sadd.s32 $0x1, s22  }
0x71: {  	v0 =	vld.idx.msk [tilespmem:v0+s31+$0x50 ss:$0x1], $0xffff;
	s26 =	sadd.s32 s0, s26;
	[tilespmem:s1+$0x0 ss:$0x81] =	vst.msk $0xffff, v11;
	p0 =	sne.s32 s22, s17  }
.Ltmp7:
0x72: {  	s28 =	sadd.s32 s0, s27;
	[tilespmem:s26+$0x0 ss:$0x81] =	vst.msk $0xffff, v8;
	(pc) =	sbr.rel @p0 .LBB1_4-.Ltmp7, $4  }
.Ltmp8:
0x73: {  	s29 =	sadd.s32 s0, s25;
	[tilespmem:s28+$0x0 ss:$0x81] =	vst.msk $0xffff, v9;
	(pc) =	sbr.rel @!p0 .LBB1_11-.Ltmp8, $4  }
0x74: {  	s30 =	sadd.s32 s0, s24;
	[tilespmem:s29+$0x0 ss:$0x81] =	vst.msk $0xffff, v10  }
0x75: {  	s31 =	sadd.s32 s0, s23;
	[tilespmem:s30+$0x0 ss:$0x81] =	vst.msk $0xffff, v7  }
0x76: {  	[tilespmem:s31+$0x0 ss:$0x81] =	vst.msk $0xffff, v0  }
0x77: {  	_ = 	snop  }
.LBB1_5:
.Ltmp9:
0x78: {  	(pc) =	sbr.rel .LBB1_10-.Ltmp9, $2  }
0x79: {  	_ =	sdelay $0x2  }
0x7a: {  	_ = 	snop  }
.LBB1_7:
.Ltmp10:
0x7b: {  	_ = 	snop;
	(pc) =	sbr.rel .LBB1_10-.Ltmp10, $2  }
0x7c: {  	_ =	sdelay $0x2  }
0x7d: {  	s0 =	smov.u32 s29;
	s31 =	smov.u32 s30;
	v11 =	vmovc v2;
	v8 =	vmovc v3;
	v9 =	vmov v4;
	v10 =	vmov v5;
	v7 =	vmov v6  }
.LBB1_13:
0x7e: {  	_ =	sfence.sel $0x180000  }
0x7f: {  	s0 =	simm.s32 $0x1;
	[bflag:$0x0] =	sbarrier.arrive $0xFFFF  }
0x80: {  	s30 =	simm.s32 $0x2;
	[sflag:s0] =	ssyncpa.u1 $0x1  }
0x81: {  	[sflag:s30] =	ssyncpa.u1 $0x1  }
0x82: {  	_ =	strace $0x90000047  }
0x83: {  	s31 =	stileid.u32;
	[bflag:$0x2] =	sbarrier.arrive $0xFFFF  }
0x84: {  	p0 =	sne.s32 s31, $0x0;
	s0 =	rddreg [dreg:$0x2]  }
0x85: {  	s0 =	sadd.s32 @!p0 $0x100000, s0  }
0x86: {  	[sflag:s0] =	ssyncadd.tile.s32 @!p0 $0x1;
	_ =	shalt  }
.Lfunc_end1:
_tile_overlayer_lowered:
.L_overlay_start_2:
0x87: {  	(tag) =	ssettag $0x2  }
0x88: {  	s0 =	rddreg [dreg:$0x0];
	s2 =	stileid.u32  }
0x89: {  	s1 =	rddreg [dreg:$0x1];
	p0 =	sne.s32 s2, $0x0  }
0x8a: {  	s3 =	rddreg [dreg:$0x2];
	[bflag:$0x3] =	sbarrier.arrive $0xFFFF;
	s2 =	simm.s32 @!p0 $0x1C01  }
0x8b: {  	[timem:s3], [sflag:s2] =	dma.local @!p0 [hbm:s0], s1  }
0x8c: {  	s0 =	simm.s32 @!p0 $0x1  }
0x8d: {  	_ =	swait.ge @!p0 [sflag:s0], s1  }
0x8e: {  	s1 =	ssub.s32 @!p0 $0x0, s1;
	[sflag:s0] =	ssyncset.done @!p0 $0x0  }
0x8f: {  	[sflag:s0] =	ssyncadd.s32 @!p0 s1  }
0x90: {  	[bflag:$0x3] =	sbarrier.arrive $0xFFFF  }
0x91: {  	_ =	shalt  }

</sc_bundles>
